<compile_context>
chip_gen: v7x
topology: tpu7x:2x2x1
jax: 0.10.2.dev20260603
libtpu: 0.0.44.dev20260713+nightly
codegen_flags: <defaults>
</compile_context>

<pallas_src>
import functools

import jax
import jax.numpy as jnp
from jax.experimental import pallas as pl
from jax.experimental.pallas import tpu as pltpu


def _moe_block_kernel(nexp, xc_ref, wyr_ref, wyi_ref, s_ref,
                      cnt_ref, bias_ref, actr_ref, acti_ref):
    e = pl.program_id(1)
    xc = xc_ref[...]
    yr = jnp.dot(xc, wyr_ref[0], preferred_element_type=jnp.float32)
    yi = jnp.dot(xc, wyi_ref[0], preferred_element_type=jnp.float32)
    onehot = (jax.lax.broadcasted_iota(jnp.int32, (nexp, 1), 0) == e
              ).astype(jnp.float32)
    s = jnp.dot(s_ref[...], onehot,
                preferred_element_type=jnp.float32)

    @pl.when(e == 0)
    def _init():
        actr_ref[...] = s * yr
        acti_ref[...] = s * yi

    @pl.when(e != 0)
    def _acc():
        actr_ref[...] += s * yr
        acti_ref[...] += s * yi

    @pl.when(e == nexp - 1)
    def _finalize():
        cnt = jnp.maximum(cnt_ref[...], 1.0)
        outr = actr_ref[...] / cnt
        outi = acti_ref[...] / cnt
        mag = jnp.sqrt(outr * outr + outi * outi)
        safe = jnp.maximum(mag, 1e-8)
        scale = jax.nn.relu(mag + bias_ref[...]) / safe
        actr_ref[...] = outr * scale
        acti_ref[...] = outi * scale


def kernel(x, gate_weights, experts_weight, modrelu_bias):
    B, D, _ = x.shape
    E = gate_weights.shape[1]
    k = max(1, B // E)

    xg = x.reshape(B, 2 * D)
    scores = jnp.matmul(xg, gate_weights)
    st, ti = jax.lax.top_k(scores.T, k)
    topk_scores = st.T
    topk_indices = ti.T

    eidx = jnp.arange(E)[:, None]
    sel = jnp.zeros((E, B), jnp.float32).at[eidx, ti].set(st)
    cnt = jnp.zeros((B,), jnp.float32).at[ti.reshape(-1)].add(1.0)
    s_dense = sel.T
    cnt2 = cnt[:, None]

    xr = x[..., 0].astype(jnp.bfloat16)
    xi = x[..., 1].astype(jnp.bfloat16)
    xc = jnp.concatenate([xr, xi], axis=1)
    wr = experts_weight[..., 0].astype(jnp.bfloat16)
    wi = experts_weight[..., 1].astype(jnp.bfloat16)
    wyr = jnp.concatenate([wr, -wi], axis=1)
    wyi = jnp.concatenate([wi, wr], axis=1)
    bias2 = modrelu_bias[None, :]

    BLK = min(2048, B)
    nb = B // BLK
    grid = (nb, E)
    out_shapes = (
        jax.ShapeDtypeStruct((B, D), jnp.float32),
        jax.ShapeDtypeStruct((B, D), jnp.float32),
    )
    actr, acti = pl.pallas_call(
        functools.partial(_moe_block_kernel, E),
        grid=grid,
        in_specs=[
            pl.BlockSpec((BLK, 2 * D), lambda i, e: (i, 0)),
            pl.BlockSpec((1, 2 * D, D), lambda i, e: (e, 0, 0)),
            pl.BlockSpec((1, 2 * D, D), lambda i, e: (e, 0, 0)),
            pl.BlockSpec((BLK, E), lambda i, e: (i, 0)),
            pl.BlockSpec((BLK, 1), lambda i, e: (i, 0)),
            pl.BlockSpec((1, D), lambda i, e: (0, 0)),
        ],
        out_specs=(
            pl.BlockSpec((BLK, D), lambda i, e: (i, 0)),
            pl.BlockSpec((BLK, D), lambda i, e: (i, 0)),
        ),
        out_shape=out_shapes,
        compiler_params=pltpu.CompilerParams(
            dimension_semantics=("parallel", "arbitrary"),
        ),
    )(xc, wyr, wyi, s_dense, cnt2, bias2)

    act = jnp.stack([actr, acti], axis=-1)
    counts = cnt2.reshape(B, 1, 1)
    return (act, topk_indices, topk_scores, counts)

# --- scband reference (transcript-rebuilt; emitter-appended) ---
"""Pipeline reference for scband-expert-choice-mo-ematcher-89043261981219 (READ-ONLY COPY).

The authoritative reference and input builder live on the scoring server;
editing this copy changes nothing except your own understanding.
"""

import jax, jax.numpy as jnp
import numpy as np
import math


def setup_inputs(seed: int = 0) -> dict:
    key = jax.random.key(seed)
    k1, k2, k3, k4 = jax.random.split(key, 4)
    B_T, D, E = 32768, 384, 16
    x = jax.random.normal(k1, (B_T, D, 2), dtype=jnp.float32)
    gate_weights = jax.random.normal(k2, (D * 2, E), dtype=jnp.float32) / math.sqrt(D * 2)
    # ComplexKaimingInitializer for shape (E, D, D): fan_in = D
    mag = jnp.abs(jax.random.normal(k3, (E, D, D), dtype=jnp.float32)) * (1.0 / math.sqrt(D))
    phase = jax.random.uniform(k4, (E, D, D), dtype=jnp.float32) * 2.0 * math.pi
    experts_weight = jnp.stack([mag * jnp.cos(phase), mag * jnp.sin(phase)], axis=-1).astype(jnp.float16)
    modrelu_bias = jnp.zeros((D,), dtype=jnp.float32)
    return {"x": x, "gate_weights": gate_weights, "experts_weight": experts_weight, "modrelu_bias": modrelu_bias}


def _modrelu(x, bias):
    magnitude = jnp.linalg.norm(x, axis=-1)
    safe_mag = jnp.clip(magnitude, 1e-08)
    unit_phase = x / safe_mag[..., None]
    activated_mag = jax.nn.relu(magnitude + bias)
    return activated_mag[..., None] * unit_phase


def reference(x, gate_weights, experts_weight, modrelu_bias):
    B_T, D, _ = x.shape
    E = gate_weights.shape[1]
    k_nodes = max(1, B_T // E)
    x_gate = x.reshape(B_T, D * 2)
    scores = jnp.matmul(x_gate, gate_weights)  # [B_T, E]
    # torch.topk(scores, k, dim=0) -> values/indices [k, E]
    topk_scores_t, topk_indices_t = jax.lax.top_k(scores.T, k_nodes)  # [E, k]
    topk_scores = topk_scores_t.T  # [k, E]
    topk_indices = topk_indices_t.T  # [k, E]
    output = jnp.zeros_like(x)
    counts = jnp.zeros((B_T, 1, 1), dtype=jnp.float32)
    for i in range(E):
        idx = topk_indices[:, i]
        x_sub = x[idx]
        w = experts_weight[i].astype(jnp.float32)
        x_r, x_i = x_sub[..., 0], x_sub[..., 1]
        w_r, w_i = w[..., 0], w[..., 1]
        y_r = jnp.matmul(x_r, w_r) - jnp.matmul(x_i, w_i)
        y_i = jnp.matmul(x_r, w_i) + jnp.matmul(x_i, w_r)
        y_expert = jnp.stack([y_r, y_i], axis=-1)
        output = output.at[idx].add(y_expert * topk_scores[:, i:i + 1][..., None])
        counts = counts.at[idx].add(jnp.ones((k_nodes, 1, 1), dtype=jnp.float32))
    act = _modrelu(output / jnp.clip(counts, 1.0), modrelu_bias)
    return (act, topk_indices, topk_scores, counts)

if __name__ == "__main__":
    import jax
    _d = setup_inputs()
    print(jax.jit(kernel)(*tuple(_d.values())))

</pallas_src>

<mosaic_0001>
module attributes {stable_mosaic.version = 14 : i64} {
  func.func @_moe_block_kernel(%arg0: i32, %arg1: i32, %arg2: memref<2048x768xbf16, #tpu.memory_space<vmem>>, %arg3: memref<1x768x384xbf16, #tpu.memory_space<vmem>>, %arg4: memref<1x768x384xbf16, #tpu.memory_space<vmem>>, %arg5: memref<2048x16xf32, #tpu.memory_space<vmem>>, %arg6: memref<2048x1xf32, #tpu.memory_space<vmem>>, %arg7: memref<1x384xf32, #tpu.memory_space<vmem>>, %arg8: memref<2048x384xf32, #tpu.memory_space<vmem>>, %arg9: memref<2048x384xf32, #tpu.memory_space<vmem>>) attributes {dimension_semantics = [#tpu.dimension_semantics<parallel>, #tpu.dimension_semantics<arbitrary>], iteration_bounds = array<i64: 16, 16>, scalar_prefetch = 0 : i64, scratch_operands = 0 : i64, tpu.core_type = #tpu.core_type<tc>, window_params = [{transform_indices = @transform_0, window_bounds = array<i64: 2048, 768>}, {transform_indices = @transform_1, window_bounds = array<i64: 1, 768, 384>}, {transform_indices = @transform_2, window_bounds = array<i64: 1, 768, 384>}, {transform_indices = @transform_3, window_bounds = array<i64: 2048, 16>}, {transform_indices = @transform_4, window_bounds = array<i64: 2048, 1>}, {pipeline_mode = #tpu.pipeline_mode<synchronous>, transform_indices = @transform_5, window_bounds = array<i64: 1, 384>}, {transform_indices = @transform_6, window_bounds = array<i64: 2048, 384>}, {transform_indices = @transform_7, window_bounds = array<i64: 2048, 384>}]} {
    %get3A = arith.constant 0 : index
    %get3A_0 = arith.constant 0 : index
    %get3A_1 = vector.load %arg2[%get3A, %get3A_0] : memref<2048x768xbf16, #tpu.memory_space<vmem>>, vector<2048x768xbf16>
    %get3A_2 = arith.constant 0 : index
    %get3A_3 = arith.constant 0 : index
    %get3A_4 = arith.constant 0 : index
    %get3A_5 = vector.load %arg3[%get3A_2, %get3A_3, %get3A_4] : memref<1x768x384xbf16, #tpu.memory_space<vmem>>, vector<1x768x384xbf16>
    %get3A_6 = vector.shape_cast %get3A_5 : vector<1x768x384xbf16> to vector<768x384xbf16>
    %dot_general3A = arith.constant dense<0.000000e+00> : vector<2048x384xf32>
    %dot_general3A_7 = tpu.matmul %get3A_1, %get3A_6, %dot_general3A {dimension_numbers = #tpu.dot_dimension_numbers<[1], [0], [0], [1], [0, 0, 1, 1], [], []>, transpose_lhs_hint = false} : vector<2048x768xbf16>, vector<768x384xbf16>, vector<2048x384xf32> -> vector<2048x384xf32>
    %get3A_8 = arith.constant 0 : index
    %get3A_9 = arith.constant 0 : index
    %get3A_10 = arith.constant 0 : index
    %get3A_11 = vector.load %arg4[%get3A_8, %get3A_9, %get3A_10] : memref<1x768x384xbf16, #tpu.memory_space<vmem>>, vector<1x768x384xbf16>
    %get3A_12 = vector.shape_cast %get3A_11 : vector<1x768x384xbf16> to vector<768x384xbf16>
    %dot_general3A_13 = arith.constant dense<0.000000e+00> : vector<2048x384xf32>
    %dot_general3A_14 = tpu.matmul %get3A_1, %get3A_12, %dot_general3A_13 {dimension_numbers = #tpu.dot_dimension_numbers<[1], [0], [0], [1], [0, 0, 1, 1], [], []>, transpose_lhs_hint = false} : vector<2048x768xbf16>, vector<768x384xbf16>, vector<2048x384xf32> -> vector<2048x384xf32>
    %iota3A = tpu.iota {dimensions = array<i32: 0>} : vector<16x1xi32>
    %eq3A = vector.broadcast %arg1 : i32 to vector<16x1xi32>
    %eq3A_15 = arith.cmpi eq, %iota3A, %eq3A : vector<16x1xi32>
    %convert_element_type3A = arith.extui %eq3A_15 : vector<16x1xi1> to vector<16x1xi32>
    %convert_element_type3A_16 = arith.sitofp %convert_element_type3A : vector<16x1xi32> to vector<16x1xf32>
    %get3A_17 = arith.constant 0 : index
    %get3A_18 = arith.constant 0 : index
    %get3A_19 = vector.load %arg5[%get3A_17, %get3A_18] : memref<2048x16xf32, #tpu.memory_space<vmem>>, vector<2048x16xf32>
    %dot_general3A_20 = arith.constant dense<0.000000e+00> : vector<2048x1xf32>
    %dot_general3A_21 = tpu.matmul %get3A_19, %convert_element_type3A_16, %dot_general3A_20 {dimension_numbers = #tpu.dot_dimension_numbers<[1], [0], [0], [1], [0, 0, 1, 1], [], []>, transpose_lhs_hint = false} : vector<2048x16xf32>, vector<16x1xf32>, vector<2048x1xf32> -> vector<2048x1xf32>
    %eq3A_22 = arith.constant 0 : i32
    %eq3A_23 = arith.cmpi eq, %arg1, %eq3A_22 : i32
    %convert_element_type3A_24 = arith.extui %eq3A_23 : i1 to i32
    %cond3A = arith.constant 0 : i32
    %cond3A_25 = arith.cmpi ne, %convert_element_type3A_24, %cond3A : i32
    scf.if %cond3A_25 {
      %mul3A = vector.broadcast %dot_general3A_21 : vector<2048x1xf32> to vector<2048x384xf32>
      %mul3A_35 = arith.mulf %mul3A, %dot_general3A_7 : vector<2048x384xf32>
      %swap3A = arith.constant 0 : index
      %swap3A_36 = arith.constant 0 : index
      %swap3A_37 = vector.load %arg8[%swap3A, %swap3A_36] : memref<2048x384xf32, #tpu.memory_space<vmem>>, vector<2048x384xf32>
      tpu.vector_store %arg8[%swap3A, %swap3A_36], %mul3A_35 {strides = array<i32>} : memref<2048x384xf32, #tpu.memory_space<vmem>>, vector<2048x384xf32>,
      %mul3A_38 = vector.broadcast %dot_general3A_21 : vector<2048x1xf32> to vector<2048x384xf32>
      %mul3A_39 = arith.mulf %mul3A_38, %dot_general3A_14 : vector<2048x384xf32>
      %swap3A_40 = arith.constant 0 : index
      %swap3A_41 = arith.constant 0 : index
      %swap3A_42 = vector.load %arg9[%swap3A_40, %swap3A_41] : memref<2048x384xf32, #tpu.memory_space<vmem>>, vector<2048x384xf32>
      tpu.vector_store %arg9[%swap3A_40, %swap3A_41], %mul3A_39 {strides = array<i32>} : memref<2048x384xf32, #tpu.memory_space<vmem>>, vector<2048x384xf32>,
    } else {
    }
    %ne3A = arith.constant 0 : i32
    %ne3A_26 = arith.cmpi ne, %arg1, %ne3A : i32
    %convert_element_type3A_27 = arith.extui %ne3A_26 : i1 to i32
    %cond3A_28 = arith.constant 0 : i32
    %cond3A_29 = arith.cmpi ne, %convert_element_type3A_27, %cond3A_28 : i32
    scf.if %cond3A_29 {
      %get3A_35 = arith.constant 0 : index
      %get3A_36 = arith.constant 0 : index
      %get3A_37 = vector.load %arg8[%get3A_35, %get3A_36] : memref<2048x384xf32, #tpu.memory_space<vmem>>, vector<2048x384xf32>
      %mul3A = vector.broadcast %dot_general3A_21 : vector<2048x1xf32> to vector<2048x384xf32>
      %mul3A_38 = arith.mulf %mul3A, %dot_general3A_7 : vector<2048x384xf32>
      %add3A = arith.addf %get3A_37, %mul3A_38 : vector<2048x384xf32>
      %swap3A = arith.constant 0 : index
      %swap3A_39 = arith.constant 0 : index
      %swap3A_40 = vector.load %arg8[%swap3A, %swap3A_39] : memref<2048x384xf32, #tpu.memory_space<vmem>>, vector<2048x384xf32>
      tpu.vector_store %arg8[%swap3A, %swap3A_39], %add3A {strides = array<i32>} : memref<2048x384xf32, #tpu.memory_space<vmem>>, vector<2048x384xf32>,
      %get3A_41 = arith.constant 0 : index
      %get3A_42 = arith.constant 0 : index
      %get3A_43 = vector.load %arg9[%get3A_41, %get3A_42] : memref<2048x384xf32, #tpu.memory_space<vmem>>, vector<2048x384xf32>
      %mul3A_44 = vector.broadcast %dot_general3A_21 : vector<2048x1xf32> to vector<2048x384xf32>
      %mul3A_45 = arith.mulf %mul3A_44, %dot_general3A_14 : vector<2048x384xf32>
      %add3A_46 = arith.addf %get3A_43, %mul3A_45 : vector<2048x384xf32>
      %swap3A_47 = arith.constant 0 : index
      %swap3A_48 = arith.constant 0 : index
      %swap3A_49 = vector.load %arg9[%swap3A_47, %swap3A_48] : memref<2048x384xf32, #tpu.memory_space<vmem>>, vector<2048x384xf32>
      tpu.vector_store %arg9[%swap3A_47, %swap3A_48], %add3A_46 {strides = array<i32>} : memref<2048x384xf32, #tpu.memory_space<vmem>>, vector<2048x384xf32>,
    } else {
    }
    %eq3A_30 = arith.constant 15 : i32
    %eq3A_31 = arith.cmpi eq, %arg1, %eq3A_30 : i32
    %convert_element_type3A_32 = arith.extui %eq3A_31 : i1 to i32
    %cond3A_33 = arith.constant 0 : i32
    %cond3A_34 = arith.cmpi ne, %convert_element_type3A_32, %cond3A_33 : i32
    scf.if %cond3A_34 {
      %get3A_35 = arith.constant 0 : index
      %get3A_36 = arith.constant 0 : index
      %get3A_37 = vector.load %arg6[%get3A_35, %get3A_36] : memref<2048x1xf32, #tpu.memory_space<vmem>>, vector<2048x1xf32>
      %max3A = arith.constant 1.000000e+00 : f32
      %max3A_38 = vector.broadcast %max3A : f32 to vector<2048x1xf32>
      %max3A_39 = arith.maximumf %get3A_37, %max3A_38 : vector<2048x1xf32>
      %get3A_40 = arith.constant 0 : index
      %get3A_41 = arith.constant 0 : index
      %get3A_42 = vector.load %arg8[%get3A_40, %get3A_41] : memref<2048x384xf32, #tpu.memory_space<vmem>>, vector<2048x384xf32>
      %div3A = vector.broadcast %max3A_39 : vector<2048x1xf32> to vector<2048x384xf32>
      %div3A_43 = arith.divf %get3A_42, %div3A : vector<2048x384xf32>
      %get3A_44 = arith.constant 0 : index
      %get3A_45 = arith.constant 0 : index
      %get3A_46 = vector.load %arg9[%get3A_44, %get3A_45] : memref<2048x384xf32, #tpu.memory_space<vmem>>, vector<2048x384xf32>
      %div3A_47 = vector.broadcast %max3A_39 : vector<2048x1xf32> to vector<2048x384xf32>
      %div3A_48 = arith.divf %get3A_46, %div3A_47 : vector<2048x384xf32>
      %mul3A = arith.mulf %div3A_43, %div3A_43 : vector<2048x384xf32>
      %mul3A_49 = arith.mulf %div3A_48, %div3A_48 : vector<2048x384xf32>
      %add3A = arith.addf %mul3A, %mul3A_49 : vector<2048x384xf32>
      %sqrt3A = math.sqrt %add3A : vector<2048x384xf32>
      %max3A_50 = arith.constant 9.99999993E-9 : f32
      %max3A_51 = vector.broadcast %max3A_50 : f32 to vector<2048x384xf32>
      %max3A_52 = arith.maximumf %sqrt3A, %max3A_51 : vector<2048x384xf32>
      %get3A_53 = arith.constant 0 : index
      %get3A_54 = arith.constant 0 : index
      %get3A_55 = vector.load %arg7[%get3A_53, %get3A_54] : memref<1x384xf32, #tpu.memory_space<vmem>>, vector<1x384xf32>
      %add3A_56 = vector.broadcast %get3A_55 : vector<1x384xf32> to vector<2048x384xf32>
      %add3A_57 = arith.addf %sqrt3A, %add3A_56 : vector<2048x384xf32>
      %max3A_58 = arith.constant 0.000000e+00 : f32
      %max3A_59 = vector.broadcast %max3A_58 : f32 to vector<2048x384xf32>
      %max3A_60 = arith.maximumf %add3A_57, %max3A_59 : vector<2048x384xf32>
      %div3A_61 = arith.divf %max3A_60, %max3A_52 : vector<2048x384xf32>
      %mul3A_62 = arith.mulf %div3A_43, %div3A_61 : vector<2048x384xf32>
      %swap3A = arith.constant 0 : index
      %swap3A_63 = arith.constant 0 : index
      %swap3A_64 = vector.load %arg8[%swap3A, %swap3A_63] : memref<2048x384xf32, #tpu.memory_space<vmem>>, vector<2048x384xf32>
      tpu.vector_store %arg8[%swap3A, %swap3A_63], %mul3A_62 {strides = array<i32>} : memref<2048x384xf32, #tpu.memory_space<vmem>>, vector<2048x384xf32>,
      %mul3A_65 = arith.mulf %div3A_48, %div3A_61 : vector<2048x384xf32>
      %swap3A_66 = arith.constant 0 : index
      %swap3A_67 = arith.constant 0 : index
      %swap3A_68 = vector.load %arg9[%swap3A_66, %swap3A_67] : memref<2048x384xf32, #tpu.memory_space<vmem>>, vector<2048x384xf32>
      tpu.vector_store %arg9[%swap3A_66, %swap3A_67], %mul3A_65 {strides = array<i32>} : memref<2048x384xf32, #tpu.memory_space<vmem>>, vector<2048x384xf32>,
    } else {
    }
    return
  }
  func.func @transform_0(%arg0: i32, %arg1: i32) -> (i32, i32) {
    %c0_i32 = arith.constant 0 : i32
    %c0_i32_0 = arith.constant 0 : i32
    return %arg0, %c0_i32 : i32, i32
  }
  func.func @transform_1(%arg0: i32, %arg1: i32) -> (i32, i32, i32) {
    %c0_i32 = arith.constant 0 : i32
    %c0_i32_0 = arith.constant 0 : i32
    %c0_i32_1 = arith.constant 0 : i32
    return %arg1, %c0_i32, %c0_i32_0 : i32, i32, i32
  }
  func.func @transform_2(%arg0: i32, %arg1: i32) -> (i32, i32, i32) {
    %c0_i32 = arith.constant 0 : i32
    %c0_i32_0 = arith.constant 0 : i32
    %c0_i32_1 = arith.constant 0 : i32
    return %arg1, %c0_i32, %c0_i32_0 : i32, i32, i32
  }
  func.func @transform_3(%arg0: i32, %arg1: i32) -> (i32, i32) {
    %c0_i32 = arith.constant 0 : i32
    %c0_i32_0 = arith.constant 0 : i32
    return %arg0, %c0_i32 : i32, i32
  }
  func.func @transform_4(%arg0: i32, %arg1: i32) -> (i32, i32) {
    %c0_i32 = arith.constant 0 : i32
    %c0_i32_0 = arith.constant 0 : i32
    return %arg0, %c0_i32 : i32, i32
  }
  func.func @transform_5(%arg0: i32, %arg1: i32) -> (i32, i32) {
    %c0_i32 = arith.constant 0 : i32
    %c0_i32_0 = arith.constant 0 : i32
    %c0_i32_1 = arith.constant 0 : i32
    return %c0_i32, %c0_i32_0 : i32, i32
  }
  func.func @transform_6(%arg0: i32, %arg1: i32) -> (i32, i32) {
    %c0_i32 = arith.constant 0 : i32
    %c0_i32_0 = arith.constant 0 : i32
    return %arg0, %c0_i32 : i32, i32
  }
  func.func @transform_7(%arg0: i32, %arg1: i32) -> (i32, i32) {
    %c0_i32 = arith.constant 0 : i32
    %c0_i32_0 = arith.constant 0 : i32
    return %arg0, %c0_i32 : i32, i32
  }
}

</mosaic_0001>

<sc_bundles>
// kernel: scatter_offload_async_start
scs
__scs_entry_jumppad:
0x0: {  	(pc) =	sbr.rel $0x88, $3  }
0x1: {  	(tag) =	ssettag $0x0;
	lr =	simm.s32 $0x1  }
0x2: {  	[smem:$0x3F9D] =	sst lr;
	_ =	strace $0xD0000000  }
0x3: {  	_ = 	snop  }
0x4: {  	_ = 	snop  }
0x5: {  	_ = 	snop  }
0x6: {  	_ = 	snop  }
0x7: {  	_ = 	snop  }
__scs_overlays_trampoline_lowered:
0x8: {  	[smem:$0x3FAC] =	sst s0  }
0x9: {  	[smem:$0x3FAD] =	sst s1  }
0xa: {  	[smem:$0x3FAE] =	sst s2  }
0xb: {  	[smem:$0x3FAF] =	sst s3  }
0xc: {  	[smem:$0x3FB0] =	sst s4  }
0xd: {  	[smem:$0x3FB1] =	sst s5  }
0xe: {  	[smem:$0x3FB2] =	sst s6  }
0xf: {  	[smem:$0x3FB3] =	sst s7  }
0x10: {  	[smem:$0x3FB4] =	sst s8  }
0x11: {  	[smem:$0x3FB5] =	sst s9;
	s0 =	simm.s32 @!p0 $0x0  }
0x12: {  	s1 =	sld [smem:$0x3F9B];
	s0 =	simm.s32 @p0 $0x1  }
0x13: {  	[smem:$0x3FB6] =	sst s0;
	s0 =	simm.s32 @!p1 $0x0  }
0x14: {  	s2 =	sld [smem:$0x3F9A];
	s0 =	simm.s32 @p1 $0x1  }
0x15: {  	[smem:$0x3FB7] =	sst s0;
	s0 =	simm.s32 @!p2 $0x0  }
0x16: {  	s3 =	sld [smem:$0x3FDB];
	s0 =	simm.s32 @p2 $0x1  }
0x17: {  	s4 =	simm.s32 $0x1BF5;
	[smem:$0x3FB9] =	sst s0  }
0x18: {  	s0 =	sld [smem:$0x3F9C];
	_ =	swait.ge [sflag:s4], $0x0  }
0x19: {  	s7 =	sld [smem:$0x3F9D]  }
0x1a: {  	s8 =	sadd.s32 $0xFFFFE003, lr  }
0x1b: {  	s9 =	sadd.s32 $0xFFFFFEF7, lr;
	s5 =	simm.s32 $0xFFFFFFFF;
	p2 =	slt.u32 s8, $0xFFFFF086  }
0x1c: {  	p1 =	slt.u32 s9, $0xF7A;
	s5 =	simm.s32 @!p2 $0x0  }
0x1d: {  	s5 =	simm.s32 @p1 $0x1;
	p0 =	seq.s32 s7, s2  }
0x1e: {  	s7 =	smul.u32 @!p0 $0xF7A, s2;
	p2 =	seq.s32 @!p0 s5, $0x0  }
0x1f: {  	s9 =	smul.u32 $0xF7A, s1;
	s8 =	simm.s32 @!p0 $0x1BF5;
	p2 =	por !p2, p0  }
0x20: {  	[sflag:s8] =	ssyncset.s32 @!p0 $0xFFFFF086;
	s6 =	sadd.s32 @!p0 s3, s7;
	s7 =	simm.s32 @!p0 $0x108  }
0x21: {  	s3 =	sadd.s32 s3, s9;
	s6 =	sadd.s32 @!p0 $0x88, s6;
	s7 =	simm.s32 @p2 $0x1082  }
0x22: {  	[simem:s7], [sflag:s8] =	dma.local @!p0 [hbm:s6], $0xF7A  }
0x23: {  	s9 =	sor.u32 $0xD0000000, s2;
	s6 =	simm.s32 $0x108;
	_ =	swait.ge @!p0 [sflag:s8], $0x0  }
0x24: {  	s3 =	sadd.s32 $0x88, s3;
	s6 =	simm.s32 @!p1 $0x1082;
	[sflag:s4] =	ssyncset.s32 $0xFFFFF086  }
0x25: {  	[simem:s6], [sflag:s4] =	dma.local [hbm:s3], $0xF7A  }
0x26: {  	[smem:$0x3F9D] =	sst s1;
	(tag) =	ssettag s2;
	_ =	strace s9  }
0x27: {  	s1 =	sld [smem:$0x3FAD]  }
0x28: {  	s2 =	sld [smem:$0x3FAE]  }
0x29: {  	s4 =	sld [smem:$0x3FB0]  }
0x2a: {  	p0 =	seq.s32 s5, $0x0;
	s5 =	sld [smem:$0x3FB1]  }
0x2b: {  	s6 =	sld [smem:$0x3FB2]  }
0x2c: {  	s7 =	sld [smem:$0x3FB3]  }
0x2d: {  	s3 =	simm.s32 $0x108;
	s8 =	sld [smem:$0x3FB4]  }
0x2e: {  	s3 =	simm.s32 @!p0 $0x1082;
	s9 =	sld [smem:$0x3FB5]  }
0x2f: {  	lr =	sadd.s32 s0, s3;
	s0 =	sld [smem:$0x3FAC]  }
0x30: {  	s3 =	sld [smem:$0x3FAF]  }
0x31: {  	[smem:$0x3FB8] =	sst s10  }
0x32: {  	s10 =	sld [smem:$0x3FB6];
	_ =	sdelay $0x3  }
0x33: {  	p0 =	seq.s32 s10, $0x1;
	s10 =	sld [smem:$0x3FB8];
	_ =	sdelay $0x3  }
0x34: {  	[smem:$0x3FB8] =	sst s10  }
0x35: {  	s10 =	sld [smem:$0x3FB7];
	_ =	sdelay $0x3  }
0x36: {  	p1 =	seq.s32 s10, $0x1;
	s10 =	sld [smem:$0x3FB8];
	_ =	sdelay $0x3  }
0x37: {  	[smem:$0x3FB8] =	sst s10  }
0x38: {  	s10 =	sld [smem:$0x3FB9]  }
0x39: {  	_ = 	snop;
	(pc) =	sbr.ind lr, $3  }
0x3a: {  	_ = 	snop  }
0x3b: {  	_ = 	snop  }
0x3c: {  	p2 =	seq.s32 s10, $0x1;
	s10 =	sld [smem:$0x3FB8]  }
0x3d: {  	_ =	shalt  }
0x3e: {  	_ =	shalt  }
0x3f: {  	_ =	shalt  }
0x40: {  	_ =	shalt  }
0x41: {  	_ =	shalt  }
0x42: {  	_ =	shalt  }
0x43: {  	_ =	shalt  }
0x44: {  	_ =	shalt  }
0x45: {  	_ =	shalt  }
0x46: {  	_ =	shalt  }
0x47: {  	_ =	shalt  }
0x48: {  	_ =	shalt  }
0x49: {  	_ =	shalt  }
0x4a: {  	_ =	shalt  }
0x4b: {  	_ =	shalt  }
0x4c: {  	_ =	shalt  }
0x4d: {  	_ =	shalt  }
0x4e: {  	_ =	shalt  }
0x4f: {  	_ =	shalt  }
0x50: {  	_ =	shalt  }
0x51: {  	_ =	shalt  }
0x52: {  	_ =	shalt  }
0x53: {  	_ =	shalt  }
0x54: {  	_ =	shalt  }
0x55: {  	_ =	shalt  }
0x56: {  	_ =	shalt  }
0x57: {  	_ =	shalt  }
0x58: {  	_ =	shalt  }
0x59: {  	_ =	shalt  }
0x5a: {  	_ =	shalt  }
0x5b: {  	_ =	shalt  }
0x5c: {  	_ =	shalt  }
0x5d: {  	_ =	shalt  }
0x5e: {  	_ =	shalt  }
0x5f: {  	_ =	shalt  }
0x60: {  	_ =	shalt  }
0x61: {  	_ =	shalt  }
0x62: {  	_ =	shalt  }
0x63: {  	_ =	shalt  }
0x64: {  	_ =	shalt  }
0x65: {  	_ =	shalt  }
0x66: {  	_ =	shalt  }
0x67: {  	_ =	shalt  }
0x68: {  	_ =	shalt  }
0x69: {  	_ =	shalt  }
0x6a: {  	_ =	shalt  }
0x6b: {  	_ =	shalt  }
0x6c: {  	_ =	shalt  }
0x6d: {  	_ =	shalt  }
0x6e: {  	_ =	shalt  }
0x6f: {  	_ =	shalt  }
0x70: {  	_ =	shalt  }
0x71: {  	_ =	shalt  }
0x72: {  	_ =	shalt  }
0x73: {  	_ =	shalt  }
0x74: {  	_ =	shalt  }
0x75: {  	_ =	shalt  }
0x76: {  	_ =	shalt  }
0x77: {  	_ =	shalt  }
0x78: {  	_ =	shalt  }
0x79: {  	_ =	shalt  }
0x7a: {  	_ =	shalt  }
0x7b: {  	_ =	shalt  }
0x7c: {  	_ =	shalt  }
0x7d: {  	_ =	shalt  }
0x7e: {  	_ =	shalt  }
0x7f: {  	_ =	shalt  }
0x80: {  	_ =	shalt  }
0x81: {  	_ =	shalt  }
0x82: {  	_ =	shalt  }
0x83: {  	_ =	shalt  }
0x84: {  	_ =	shalt  }
0x85: {  	_ =	shalt  }
0x86: {  	_ =	shalt  }
0x87: {  	_ =	shalt  }
.Lfunc_end0:
.L_simem_size_0:
called_computation_lowered:
.L_overlay_start_0:
0x88: {  	s0 =	sld [smem:$0x3FD9]  }
0x89: {  	s1 =	sld [smem:$0x3FFE];
	_ =	sdelay $0x3  }
0x8a: {  	s0 =	sadd.s32 s1, s0  }
0x8b: {  	[smem:$0x3FC4] =	sst s0  }
0x8c: {  	_ = 	snop  }
0x8d: {  	s0 =	sld [smem:$0x3FD0];
	_ =	sdelay $0x2  }
0x8e: {  	s13 =	simm.s32 $0xA;
	s2 =	simm.s32 $0x10  }
0x8f: {  	[smem:s2], [sflag:s13] =	dma.local [hbm:s0], $0x1  }
0x90: {  	_ =	swait.eq [sflag:s13], $0x1  }
0x91: {  	[sflag:s13] =	ssyncset.done $0x0  }
0x92: {  	[sflag:s13] =	ssyncadd.s32 $0xFFFFFFFF  }
0x93: {  	s14 =	sld [smem:$0x13];
	(tm) =	ssettm $0x1  }
0x94: {  	s15 =	sld [smem:$0x3FFB];
	_ =	sdelay $0x3  }
0x95: {  	_ =	strace s15  }
0x96: {  	s1 =	sld [smem:$0x3FFC];
	_ =	sdelay $0x3  }
0x97: {  	_ =	strace s1  }
0x98: {  	s1 =	sld [smem:$0x3FFD];
	_ =	sdelay $0x3  }
0x99: {  	_ =	strace s1  }
0x9a: {  	_ =	strace $0x8FFFFFFF  }
0x9b: {  	s16 =	sld [smem:$0x3FDB];
	_ =	sdelay $0x1  }
0x9c: {  	s17 =	simm.s32 $_scs_section_size  }
0x9d: {  	s3 =	simm.s32 $_size__tile_overlayer_lowered;
	s4 =	simm.s32 $_tile_overlayer_lowered  }
0x9e: {  	s20 =	simm.s32 $0x1BFF;
	s19 =	sshll.u32 s4, $0x1;
	s1 =	sadd.s32 s17, s16  }
0x9f: {  	s5 =	simm.s32 $0x0;
	s18 =	sshll.u32 s3, $0x1;
	s3 =	sadd.s32 s19, s1  }
0xa0: {  	[timem:s5], [sflag:s20] =	dma.local [hbm:s3], s18  }
0xa1: {  	_ =	swait.ge [sflag:s20], s18  }
0xa2: {  	s2 =	ssub.s32 $0x0, s18;
	[sflag:s20] =	ssyncset.done $0x0  }
0xa3: {  	[sflag:s20] =	ssyncadd.s32 s2;
	_ =	sdelay $0x1  }
0xa4: {  	s21 =	simm.s32 $0x1B8B  }
0xa5: {  	_ =	swait.ge [sflag:s21], $0x1  }
0xa6: {  	[sflag:s21] =	ssyncset.done $0x0  }
0xa7: {  	s23 =	simm.s32 $0x1B8E;
	s22 =	sld [smem:$0x3FFE];
	[sflag:s21] =	ssyncadd.s32 $0xFFFFFFFF  }
0xa8: {  	s24 =	simm.s32 $execute0_lowered;
	[smem:$0x3FD2] =	sst s23  }
0xa9: {  	s3 =	sshll.u32 s24, $0x1;
	_ =	strace $0x80000046;
	[dreg:$0x1] =	wrdreg $0xFFFFFFFF  }
0xaa: {  	s25 =	simm.s32 $_size_execute0_lowered;
	s1 =	sadd.s32 s1, s3;
	[dreg:$0x0] =	wrdreg $0x0  }
0xab: {  	s3 =	sshll.u32 s25, $0x1;
	[dreg:$0x2] =	wrdreg s1  }
0xac: {  	[dreg:$0x3] =	wrdreg s3  }
0xad: {  	[dreg:$0x4] =	wrdreg $0xC0  }
0xae: {  	_ =	task [dreg:s5], $0x5FFFF  }
0xaf: {  	[dreg:$0x1] =	wrdreg $0xFFFFFFFF  }
0xb0: {  	[dreg:$0x0] =	wrdreg $0x60  }
0xb1: {  	[dreg:$0x2] =	wrdreg s14  }
0xb2: {  	[dreg:$0x3] =	wrdreg s22  }
0xb3: {  	[dreg:$0x4] =	wrdreg $0x9  }
0xb4: {  	_ =	task.clear_ibuf [dreg:s5], $0x5FFFF;
	_ =	strace $0x90000046  }
0xb5: {  	s26 =	simm.s32 $0x9;
	_ =	strace $0x80000048  }
0xb6: {  	_ =	swait.ge [sflag:s26], $0x1  }
0xb7: {  	[sflag:s26] =	ssyncadd.s32 $0xFFFFFFFF  }
0xb8: {  	_ =	strace $0x90000048  }
0xb9: {  	_ =	sfence  }
0xba: {  	s28 =	sld [smem:$0x0];
	_ =	sdelay $0x1  }
0xbb: {  	s29 =	srdreg.scid  }
0xbc: {  	s30 =	sshll.u32 s29, $0xD;
	s31 =	sshrl.u32 s29, $0x2  }
0xbd: {  	s2 =	sand.u32 $0x4000, s30;
	s1 =	sand.u32 $0x1, s29;
	s0 =	sadd.s32 s31, s28  }
0xbe: {  	s1 =	sor.u32 s2, s1;
	s0 =	sshll.u32 s0, $0x11  }
0xbf: {  	s0 =	sor.u32 s0, s1  }
0xc0: {  	s0 =	sadd.s32 $0x8F2B, s0  }
0xc1: {  	[sflag:s0] =	ssyncadd.remote.s32 $0x1  }
0xc2: {  	_ =	sfence.sel $0xFFFF  }
0xc3: {  	[dreg:$0x0] =	wrdreg $0xFFFFFFFF;
	(pc) =	sbr.abs _section_cstart, $3  }
0xc4: {  	[dreg:$0x1] =	wrdreg $0xFFFFFFFF  }
0xc5: {  	_ =	task.clear_ibuf [dreg:s5], $0x2FFFF;
	_ =	strace $0x9FFFFFFF  }
0xc6: {  	(tm) =	ssettm $0x7FFFFFFF  }
0xc7: {  	_ =	shalt  }
tec
execute0_lowered:
.L_overlay_start_1:
0x0: {  	(tag) =	ssettag $0x1  }
0x1: {  	s1 =	rddreg [dreg:$0x0]  }
0x2: {  	s0 =	rddreg [dreg:$0x1];
	_ =	strace $0x80000047;
	s3 =	simm.s32 $0x1  }
0x3: {  	v1 =	vimm.s32 $0xFFFFFFFF;
	[sflag:s3] =	ssyncpa.u1 $0x0  }
0x4: {  	[tilespmem:$0x10] =	vst v1  }
0x5: {  	v0 =	vimm.f32 $0.0e+00;
	[tilespmem:$0x20] =	vst v1  }
0x6: {  	[tilespmem:$0x30] =	vst v0  }
0x7: {  	s2 =	simm.s32 $0x2;
	s6 =	simm.s32 $0x7;
	[tilespmem:$0x40] =	vst v0  }
0x8: {  	s26 =	stileid.u32;
	s7 =	simm.s32 $0x8;
	s31 =	simm.s32 $0x9;
	[tilespmem:$0x50] =	vst v0  }
0x9: {  	s14 =	simm.s32 $0x0;
	s15 =	simm.s32 $0x100;
	s18 =	simm.s32 $0x10;
	[tilespmem:$0x60] =	vst v1  }
0xa: {  	s19 =	simm.s32 $0x4900;
	s20 =	simm.s32 $0xF;
	s21 =	simm.s32 $0x50;
	[tilespmem:$0x70] =	vst v1  }
0xb: {  	s22 =	simm.s32 $0x20FF;
	s23 =	simm.s32 $0x20;
	s24 =	simm.s32 $0x30;
	[tilespmem:$0x80] =	vst v1  }
0xc: {  	s25 =	simm.s32 $0x40FF;
	s30 =	simm.s32 $0x0;
	s29 =	simm.s32 $0x0;
	v1 =	vimm.s32 $0x0;
	[tilespmem:$0xB0] =	vst v0  }
.Ltmp0:
0xd: {  	s4 =	sadd.s32 $0x140000, s0;
	s5 =	sadd.s32 $0x141000, s0;
	[tilespmem:$0x90] =	vst v1;
	(pc) =	sbr.rel .LBB2_1-.Ltmp0, $4  }
0xe: {  	s8 =	sshll.u32 s26, $0xB;
	s10 =	sshll.u32 s26, $0x1;
	[tilespmem:$0xA0] =	vst v1;
	[sflag:s2] =	ssyncpa.u1 $0x0  }
0xf: {  	s12 =	sshllo.u32 s26, $0x1;
	s26 =	simm.s32 $0x80;
	[sflag:s6] =	ssyncpa.u1 $0x0  }
0x10: {  	vm0 =	vmmov $0xffff;
	v2 =	vlaneseq.u32;
	s9 =	sadd.s32 $0x800, s8;
	s11 =	sor.u32 $0x81, s10;
	[sflag:s7] =	ssyncpa.u1 $0x0  }
0x11: {  	vm1 =	vmxor vm1, vm1;
	vm2 =	vmmov $0x1;
	vm3 =	vcmask $0x3F3C;
	s13 =	sor.u32 $0x80, s10;
	s28 =	smov.u32 s8;
	[sflag:s31] =	ssyncpa.u1 $0x0  }
.LBB2_3:
0x12: {  	s0 =	sshrl.u32 s28, $0x3  }
0x13: {  	s2 =	sand.u32 $0x7, s28;
	s0 =	sadd.s32 s4, s0  }
0x14: {  	[tilespmem:s15], [sflag:$0x7] =	stream.linear.gather [hbm4b:s0+s2], $0x800, $0x38;
	[tilespmem:$0x4920] =	vst v63  }
.LBB2_4:
0x15: {  	s0 =	sadd.s32 $0x800, s28  }
0x16: {  	s2 =	smov.u32 s8;
	s29 =	sadd.s32 $0x1, s29;
	p0 =	slt.s32 s0, s9  }
0x17: {  	s2 =	smov.u32 @p0 s0;
	p0 =	sne.s32 s29, $0x4  }
.Ltmp1:
0x18: {  	_ = 	snop;
	(pc) =	sbr.rel @!p0 .LBB2_13-.Ltmp1, $2  }
0x19: {  	_ =	sdelay $0x2  }
0x1a: {  	s30 =	smov.u32 s28;
	s28 =	smov.u32 s2  }
.LBB2_1:
0x1b: {  	p0 =	sgt.s32 s29, $0x1  }
.Ltmp2:
0x1c: {  	_ = 	snop;
	(pc) =	sbr.rel @p0 .LBB2_11-.Ltmp2, $1  }
0x1d: {  	_ =	sdelay $0x3  }
0x1e: {  	p0 =	seq.s32 s29, $0x0  }
.Ltmp3:
0x1f: {  	_ = 	snop;
	(pc) =	sbr.rel @p0 .LBB2_3-.Ltmp3, $1  }
0x20: {  	_ =	sdelay $0x3  }
0x21: {  	_ =	swait.ge [sflag:s6], $0x800  }
0x22: {  	[sflag:s6] =	ssyncset.done $0x0  }
0x23: {  	[sflag:s6] =	ssyncadd.s32 $0xFFFFF800;
	(ifvalue) =	ssetifvalue $0xFFFFFFFF;
	v3 =	vld.msk [tilespmem:s15+$0x0 ss:$0x1], $0xffff;
	_ =	sdelay $0x4  }
0x24: {  	v4 =	vperm.xlane v3, v1  }
0x25: {  	vm4 =	vlt.u32 v3, $0x8000  }
0x26: {  	v3 =	vnsel vm4, $0xFFFFFFFE, v3;
	vm4 =	vlt.u32 v4, $0x8000  }
0x27: {  	[tilespmem:$0x70] =	vst v3;
	v3 =	vnsel vm4, $0xFFFFFFFE, v4  }
0x28: {  	s17 =	simm.s32 $0x8F0;
	[tilespmem:$0x80] =	vst v3  }
0x29: {  	v3 =	vld.msk [tilespmem:s17+$0x0 ss:$0x1], $0xffff;
	_ =	sdelay $0x4  }
0x2a: {  	(xrf1) =	vunique.msk.u32 $0xffff, v3;
	_ =	sdelay $0xd  }
0x2b: {  	v4 =	vimm.s32 $0xFFFFFFFF;
	v5, _, _ =	vpop (xrf1)  }
0x2c: {  	vm5 =	vne.s32 v3, v4;
	vm4 =	veq.s32 v5, v2  }
0x2d: {  	vm6 =	vlt.u32 v3, $0x8000;
	vm4 =	vmand vm5, vm4  }
0x2e: {  	vm4 =	vmand vm6, vm4  }
0x2f: {  	v4 =	vnsel vm4, $0xFFFFFFFF, v3;
	_ =	sdelay $0x3  }
0x30: {  	s0 =	simm.s32 $0x20F0;
	(ifvalue) =	ssetifvalue $0xFFFFFFFF  }
0x31: {  	v3 =	vperm.xlane v3, v1;
	[tilespmem:s0], [sflag:$0x8] =	stream.indirect_vreg.gather [hbm4b:s1+s14], $0x1, v4, vm0, $0x4038;
	v4 =	vnsel vm6, $0xFFFFFFFE, v4;
	[tilespmem:$0x4920] =	vst v63  }
0x32: {  	s2 =	simm.s32 $0x0;
	s16 =	simm.s32 $0x8E0;
	[tilespmem:s17+$0x0] =	vst v4  }
.LBB2_6:
0x33: {  	v4 =	vld.msk [tilespmem:s16+$0x0 ss:$0x1], $0xffff;
	s2 =	sadd.s32 $0x10, s2;
	v5 =	vmov v3;
	s17 =	smov.u32 s16  }
0x34: {  	p0 =	slt.u32 s2, $0x7F0;
	_ =	sdelay $0x4  }
0x35: {  	v3 =	vperm.xlane v4, v1;
	(xrf1) =	vunique.msk.u32 $0xffff, v4;
	_ =	sdelay $0xd  }
0x36: {  	v6, _, _ =	vpop (xrf1)  }
0x37: {  	vm5 =	vne.s32 v4, v5;
	vm4 =	veq.s32 v6, v2  }
0x38: {  	vm6 =	vlt.u32 v4, $0x8000;
	vm4 =	vmand vm5, vm4  }
0x39: {  	vm4 =	vmand vm6, vm4  }
0x3a: {  	v4 =	vnsel vm4, $0xFFFFFFFF, v4  }
.Ltmp4:
0x3b: {  	v5 =	vnsel vm6, $0xFFFFFFFE, v4;
	(pc) =	sbr.rel @p0 .LBB2_6-.Ltmp4, $3  }
0x3c: {  	_ =	sdelay $0x1  }
0x3d: {  	s16 =	sadd.s32 $0xFFFFFFF0, s16;
	s0 =	sadd.s32 $0xFFFFFFF0, s0;
	(ifvalue) =	ssetifvalue $0xFFFFFFFF  }
0x3e: {  	[tilespmem:s0], [sflag:$0x8] =	stream.indirect_vreg.gather [hbm4b:s1+s14], $0x1, v4, vm0, $0x4038;
	[tilespmem:s17+$0x0] =	vst v5  }
.Ltmp5:
0x3f: {  	(pc) =	sbr.rel .LBB2_4-.Ltmp5, $4  }
0x40: {  	_ = 	snop  }
0x41: {  	s0 =	sshrl.u32 s30, $0x3  }
0x42: {  	s2 =	simm.s32 $0x2900;
	s0 =	sadd.s32 s5, s0  }
0x43: {  	[tilespmem:s2], [sflag:$0x8] =	stream.linear.gather [hbm:s0], $0x800, $0x38;
	[tilespmem:$0x4920] =	vst v63  }
.LBB2_11:
0x44: {  	p0 =	seq.s32 s29, $0x2  }
.Ltmp6:
0x45: {  	_ = 	snop;
	(pc) =	sbr.rel @!p0 .LBB2_12-.Ltmp6, $1  }
0x46: {  	_ =	sdelay $0x3  }
0x47: {  	_ =	swait.ge [sflag:s7], $0x1000  }
0x48: {  	[sflag:s7] =	ssyncset.done $0x0  }
0x49: {  	s0 =	simm.s32 $0x8FF;
	[sflag:s7] =	ssyncadd.s32 $0xFFFFF000  }
0x4a: {  	[spmem:s11] =	stream.linear.scatter [tilespmem:s0], [sflag:$0x1], $0x1, $0x38;
	[tilespmem:$0x4920] =	vst v63  }
0x4b: {  	_ =	swait.ge [sflag:s3], $0x1  }
0x4c: {  	[sflag:s3] =	ssyncset.done $0x0  }
0x4d: {  	[sflag:s3] =	ssyncadd.s32 $0xFFFFFFFF  }
0x4e: {  	v4 =	vld [tilespmem:$0x10]  }
0x4f: {  	v5 =	vld [tilespmem:$0x70]  }
0x50: {  	v3 =	vld [tilespmem:$0x80];
	_ =	sdelay $0x2  }
0x51: {  	(v2sf) =	vpush v4, $0x0  }
0x52: {  	(v2sf) =	vpush v5, $0x0  }
0x53: {  	(v2sf) =	vpush v3, $0x0;
	_ =	sdelay $0xc  }
0x54: {  	s16 =	spop (v2sf)  }
0x55: {  	s2 =	spop (v2sf)  }
0x56: {  	s30 =	spop (v2sf)  }
0x57: {  	p0 =	seq.s32 s16, s2;
	p1 =	seq.s32 s30, s16  }
0x58: {  	p1 =	por p0, p1  }
0x59: {  	v4 =	vpsel p1, $0xFFFFFFFF, v4  }
0x5a: {  	[tilespmem:s18+$0x0] =	vst.msk $0x1, v4  }
0x5b: {  	v4 =	vld [tilespmem:$0x30]  }
0x5c: {  	v5 =	vld [tilespmem:$0x2900]  }
0x5d: {  	v6 =	vld [tilespmem:$0x40];
	_ =	sdelay $0x3  }
0x5e: {  	vm4 =	vmmov vm1;
	v5 =	vadd.f32 v5, v4  }
0x5f: {  	vm5 =	vmmov vm2;
	s31 =	simm.s32 $0x2900;
	vm4 =	vmmov @p0 vm2;
	v4 =	vadd.f32 v6, v4  }
0x60: {  	vm5 =	vmmov @p1 vm1;
	[tilespmem:s31+$0x0] =	vst.msk vm4, v5  }
0x61: {  	[tilespmem:s19+$0x0] =	vst.msk vm5, v4  }
0x62: {  	v4 =	vld [tilespmem:$0x20F0];
	_ =	sdelay $0x3  }
0x63: {  	v5 =	vimm.f32 $0.0e+00  }
0x64: {  	v4 =	vshift.insert v4, v5, s20;
	_ =	sdelay $0x1  }
0x65: {  	[tilespmem:s21+$0x0] =	vst.msk $0x1, v4  }
0x66: {  	[tilespmem:s22+$0x0] =	vst.msk $0x1, v5  }
0x67: {  	v4 =	vld [tilespmem:$0x8F0];
	_ =	sdelay $0x4  }
0x68: {  	v4 =	vshift.insert v4, v1, s20;
	_ =	sdelay $0x1  }
0x69: {  	[tilespmem:s23+$0x0] =	vst.msk $0x1, v4  }
0x6a: {  	s17 =	simm.s32 $0x100;
	v6 =	vld [tilespmem:s31+$0x0]  }
0x6b: {  	v7 =	vld [tilespmem:s17+$0x0];
	_ =	sdelay $0x3  }
0x6c: {  	v5 =	vadd.f32 v6, v5  }
0x6d: {  	vm4 =	vne.s32 v7, $0xFFFFFFFF  }
0x6e: {  	(xrf2) =	vadd.seg.scan.f32 vm4, v5;
	_ =	sdelay $0x3  }
0x6f: {  	s0 =	simm.s32 $0x1900;
	v5 =	vperm.xlane v4, v1  }
0x70: {  	v6 =	vld [tilespmem:s0+$0x0]  }
0x71: {  	vm5 =	veq.s32 v7, v3;
	vm6 =	veq.s32 v7, v5  }
0x72: {  	vm7 =	vgt.u32 v7, $0xFFFFFFFD;
	vm6 =	vmor vm6, vm5  }
0x73: {  	vm6 =	vmor vm6, vm7  }
0x74: {  	v9 =	vld [tilespmem:$0xA0];
	v7 =	vsel vm6, $0xFFFFFFFF, v7  }
0x75: {  	v10 =	vld [tilespmem:$0x90];
	v6 =	vsel vm5, $0x0, v6;
	v8, _, _ =	vpop (xrf2)  }
0x76: {  	v6 =	vadd.f32 v8, v6  }
0x77: {  	s2 =	simm.s32 $0x3900  }
0x78: {  	vm4 =	vmand vm4, vm3;
	[tilespmem:s2+$0x0] =	vst v6;
	(ifvalue) =	ssetifvalue $0xFFFFFFFF  }
0x79: {  	vm6 =	veq.s32 v9, $0x1;
	[hbm4b:s1+s14] =	stream.indirect_vreg.scatter [tilespmem:s2], [sflag:$0x2], $0x1, v7, vm0, $0x4038;
	v7 =	vsel vm4, $0x0, v8;
	[tilespmem:$0x4920] =	vst v63  }
0x7a: {  	s16 =	simm.s32 $0x0;
	s17 =	simm.s32 $0x110;
	vm4 =	vmor vm6, vm5;
	v6 =	vsel vm5, v8, v10;
	v7 =	vshift.insert v7, v0, s20  }
.LBB2_9:
0x7b: {  	v8 =	vld [tilespmem:s17+$0x0];
	s31 =	sadd.s32 $0x10, s31  }
0x7c: {  	s0 =	sadd.s32 $0x10, s0;
	v9 =	vld [tilespmem:s31+$0x0]  }
0x7d: {  	s16 =	sadd.s32 $0x10, s16;
	v10 =	vld [tilespmem:s0+$0x0]  }
0x7e: {  	p0 =	slt.u32 s16, $0x7F0;
	_ =	sdelay $0x2  }
0x7f: {  	v7 =	vadd.f32 v9, v7  }
0x80: {  	vm5 =	vne.s32 v8, $0xFFFFFFFF  }
0x81: {  	vm6 =	vmand vm5, vm3;
	(xrf2) =	vadd.seg.scan.f32 vm5, v7;
	_ =	sdelay $0x5  }
0x82: {  	vm7 =	veq.s32 v8, v5;
	vm5 =	veq.s32 v8, v3  }
0x83: {  	vm8 =	vgt.u32 v8, $0xFFFFFFFD;
	vm4 =	vmor vm4, vm5;
	vm7 =	vmor vm7, vm5  }
0x84: {  	vm7 =	vmor vm7, vm8  }
0x85: {  	v8 =	vsel vm7, $0xFFFFFFFF, v8  }
.Ltmp7:
0x86: {  	v7 =	vsel vm5, $0x0, v10;
	v9, _, _ =	vpop (xrf2);
	(pc) =	sbr.rel @p0 .LBB2_9-.Ltmp7, $4  }
0x87: {  	v6 =	vsel vm5, v9, v6;
	v10 =	vadd.f32 v9, v7;
	v7 =	vsel vm6, $0x0, v9  }
0x88: {  	s2 =	sadd.s32 $0x10, s2;
	v7 =	vshift.insert v7, v0, s20  }
0x89: {  	s17 =	sadd.s32 $0x10, s17;
	[tilespmem:s2+$0x0] =	vst v10;
	(ifvalue) =	ssetifvalue $0xFFFFFFFF  }
0x8a: {  	[hbm4b:s1+s14] =	stream.indirect_vreg.scatter [tilespmem:s2], [sflag:$0x2], $0x1, v8, vm0, $0x4038;
	[tilespmem:$0x4920] =	vst v63  }
0x8b: {  	v3 =	vld [tilespmem:$0x40F0];
	_ =	sdelay $0x4  }
0x8c: {  	v3 =	vshift.insert v3, v0, s20;
	_ =	sdelay $0x1  }
0x8d: {  	[tilespmem:s24+$0x0] =	vst.msk $0x1, v3  }
0x8e: {  	v3 =	vsel vm4, $0x1, v1;
	[tilespmem:$0x90] =	vst v6  }
0x8f: {  	[tilespmem:$0xA0] =	vst v3  }
0x90: {  	[spmem:s12] =	stream.linear.scatter [tilespmem:s25], [sflag:$0x1], $0x1, $0x38;
	[tilespmem:$0x4920] =	vst v63  }
0x91: {  	v3 =	vmctz.xlane vm4;
	_ =	swait.ge [sflag:s3], $0x1  }
0x92: {  	(v2sf) =	vpush v4, $0x0  }
0x93: {  	(v2sf) =	vpush v3, $0x0;
	_ =	sdelay $0xd  }
0x94: {  	s0 =	spop (v2sf)  }
0x95: {  	s2 =	spop (v2sf)  }
0x96: {  	[sflag:s3] =	ssyncset.done $0x0;
	p0 =	sne.s32 s30, s0;
	p1 =	slt.s32 s2, $0xF  }
0x97: {  	[sflag:s3] =	ssyncadd.s32 $0xFFFFFFFF;
	v3 =	vimm.s32 @!p0 $0xFFFFFFFF;
	s2 =	simm.s32 @!p1 $0xF  }
0x98: {  	[tilespmem:$0x80] =	vst @!p0 v3;
	s31 =	sadd.s32 $0x90, s2  }
0x99: {  	[spmem:s10] =	stream.linear.scatter [tilespmem:s31], [sflag:$0x1], $0x1, $0x38;
	[tilespmem:$0x4920] =	vst v63  }
0x9a: {  	_ =	swait.ge [sflag:s3], $0x1  }
0x9b: {  	[sflag:s3] =	ssyncset.done $0x0  }
0x9c: {  	[sflag:s3] =	ssyncadd.s32 $0xFFFFFFFF  }
0x9d: {  	[spmem:s13] =	stream.linear.scatter [tilespmem:s26], [sflag:$0x1], $0x1, $0x38;
	[tilespmem:$0x4920] =	vst v63  }
0x9e: {  	_ =	swait.ge [sflag:s3], $0x1  }
0x9f: {  	[sflag:s3] =	ssyncset.done $0x0  }
0xa0: {  	[sflag:s3] =	ssyncadd.s32 $0xFFFFFFFF;
	(ifvalue) =	ssetifvalue $0xFFFFFFFF;
	v3 =	vld [tilespmem:$0x10];
	_ =	sdelay $0x3  }
.Ltmp8:
0xa1: {  	_ = 	snop;
	(pc) =	sbr.rel .LBB2_4-.Ltmp8, $3  }
0xa2: {  	_ =	sdelay $0x1  }
0xa3: {  	(ifvalue) =	ssetifvalue $0xFFFFFFFF  }
0xa4: {  	[hbm4b:s1+s14] =	stream.indirect_vreg.scatter [tilespmem:s19], [sflag:$0x9], $0x1, v3, vm0, $0x4038;
	[tilespmem:$0x4920] =	vst v63  }
.LBB2_12:
0xa5: {  	s0 =	simm.s32 $0x2  }
0xa6: {  	_ =	swait.ge [sflag:s0], $0x800  }
0xa7: {  	[sflag:s0] =	ssyncset.done $0x0  }
0xa8: {  	s31 =	simm.s32 $0x9;
	[sflag:s0] =	ssyncadd.s32 $0xFFFFF800  }
0xa9: {  	_ =	swait.ge [sflag:s31], $0x10  }
0xaa: {  	[sflag:s31] =	ssyncset.done $0x0  }
0xab: {  	[sflag:s31] =	ssyncadd.s32 $0xFFFFFFF0  }
.LBB2_13:
0xac: {  	_ =	sfence.sel $0x180000  }
0xad: {  	s0 =	simm.s32 $0x7;
	[bflag:$0x0] =	sbarrier.arrive $0xFFFF  }
0xae: {  	s26 =	simm.s32 $0x8;
	[sflag:s0] =	ssyncpa.u1 $0x1  }
0xaf: {  	s28 =	simm.s32 $0x9;
	[sflag:s26] =	ssyncpa.u1 $0x1  }
0xb0: {  	[sflag:s28] =	ssyncpa.u1 $0x1  }
0xb1: {  	_ =	sfence.stream.spmem  }
0xb2: {  	s29 =	simm.s32 $0x3;
	[bflag:$0x0] =	sbarrier.arrive $0xFFFF  }
0xb3: {  	s30 =	simm.s32 $0x4;
	[sflag:s29] =	ssyncpa.u1 $0x1  }
0xb4: {  	s31 =	simm.s32 $0x3C;
	s2 =	stileid.u32;
	[sflag:s30] =	ssyncpa.u1 $0x1  }
0xb5: {  	p0 =	sne.s32 s2, $0x0;
	[sflag:s31] =	ssyncpa.u1 $0x1  }
0xb6: {  	s0 =	simm.s32 @p0 $0x1;
	_ =	sfence @p0  }
0xb7: {  	[sflag:s0] =	ssyncpa.u1 @p0 $0x1;
	s0 =	simm.s32 @p0 $0x2  }
0xb8: {  	[sflag:s0] =	ssyncpa.u1 @p0 $0x1  }
0xb9: {  	_ =	strace @p0 $0x90000047  }
0xba: {  	[bflag:$0x2] =	sbarrier.arrive @p0 $0xFFFF  }
0xbb: {  	_ =	shalt @p0  }
.LBB2_14:
0xbc: {  	_ =	sfence.stream.spmem;
	s0 =	simm.s32 $0x5  }
0xbd: {  	s2 =	simm.s32 $0x80;
	s3 =	simm.s32 $0xC0;
	[sflag:s0] =	ssyncpa.u1 $0x0  }
0xbe: {  	[tilespmem:s3], [sflag:$0x5] =	stream.linear.gather [spmem:s2], $0x20, $0x38;
	[tilespmem:$0x4920] =	vst v63  }
0xbf: {  	s2 =	simm.s32 $0x0;
	s3 =	simm.s32 $0xE0  }
0xc0: {  	[tilespmem:s3], [sflag:$0x5] =	stream.linear.gather [spmem:s2], $0x20, $0x38;
	[tilespmem:$0x4920] =	vst v63  }
.Ltmp9:
0xc1: {  	_ = 	snop;
	(pc) =	sbr.rel .LBB2_15-.Ltmp9, $4  }
0xc2: {  	_ =	swait.ge [sflag:s0], $0x40  }
0xc3: {  	[sflag:s0] =	ssyncset.done $0x0  }
0xc4: {  	s31 =	simm.s32 $0x6;
	[sflag:s0] =	ssyncadd.s32 $0xFFFFFFC0  }
0xc5: {  	s4 =	simm.s32 $0x0;
	[sflag:s31] =	ssyncpa.u1 $0x0  }
.LBB2_20:
0xc6: {  	p0 =	sgt.u32 s0, $0x7FFF  }
0xc7: {  	s5 =	sshrl.u32 @!p0 s0, $0x3  }
0xc8: {  	s0 =	sand.u32 @!p0 $0x7, s0;
	s6 =	simm.s32 @!p0 $0xB0;
	s5 =	sadd.s32 @!p0 s1, s5  }
0xc9: {  	[tilespmem:s6], [sflag:$0x6] =	stream.linear.gather @!p0 [hbm4b:s5+s0], $0x1, $0x38;
	[tilespmem:$0x4920] =	vst v63  }
0xca: {  	s0 =	simm.s32 @!p0 $0x6  }
0xcb: {  	_ =	swait.ge @!p0 [sflag:s0], $0x1  }
0xcc: {  	[sflag:s0] =	ssyncset.done @!p0 $0x0  }
0xcd: {  	[sflag:s0] =	ssyncadd.s32 @!p0 $0xFFFFFFFF  }
0xce: {  	v2 =	vmov @!p0 s4;
	v1 =	vld.msk @!p0 [tilespmem:$0xB0], $0x1;
	_ =	sdelay $0x3  }
0xcf: {  	s0 =	simm.s32 @!p0 $0xE0  }
0xd0: {  	[tilespmem:v2+s0+$0x0], v1 =	vst.idx.ret.add.f32.msk @!p0 $0x1, v1  }
0xd1: {  	[tilespmem:s2+$0xC0] =	vst.msk $0x1, v0  }
0xd2: {  	v0 =	vld.msk [tilespmem:s4+$0xE0], $0x1;
	_ =	sdelay $0x4  }
0xd3: {  	[tilespmem:s2+$0xE0] =	vst.msk $0x1, v0;
	s2 =	sadd.s32 $0x1, s2  }
.LBB2_22:
0xd4: {  	s4 =	sadd.s32 $0x1, s4  }
0xd5: {  	p0 =	sne.s32 s4, $0x20  }
.Ltmp10:
0xd6: {  	_ = 	snop;
	(pc) =	sbr.rel @!p0 .LBB2_23-.Ltmp10, $1  }
0xd7: {  	_ =	sdelay $0x3  }
.LBB2_15:
0xd8: {  	v0 =	vld.msk [tilespmem:s4+$0xC0], $0x1;
	_ =	sdelay $0x4  }
0xd9: {  	(v2sf) =	vpush v0, $0x0;
	_ =	sdelay $0xe  }
0xda: {  	s0 =	spop (v2sf)  }
0xdb: {  	p0 =	seq.s32 s0, $0xFFFFFFFF  }
.Ltmp11:
0xdc: {  	_ = 	snop;
	(pc) =	sbr.rel @p0 .LBB2_22-.Ltmp11, $1  }
0xdd: {  	_ =	sdelay $0x3  }
0xde: {  	p0 =	slt.s32 s2, $0x1  }
.Ltmp12:
0xdf: {  	_ = 	snop;
	(pc) =	sbr.rel @p0 .LBB2_20-.Ltmp12, $1  }
0xe0: {  	_ =	sdelay $0x3  }
0xe1: {  	s5 =	simm.s32 $0xC0;
	p0 =	por $0x0, $0x0  }
0xe2: {  	v1 =	vld.msk @!p0 [tilespmem:s5+$0x0], $0x1;
	_ =	sdelay $0x4  }
0xe3: {  	(v2sf) =	vpush @!p0 v1, $0x0;
	_ =	sdelay $0xd  }
0xe4: {  	p2 =	sne.s32 s2, $0x1  }
.Ltmp13:
0xe5: {  	s6 =	spop @!p0 (v2sf);
	(pc) =	sbr.rel @!p2 .LBB2_19-.Ltmp13, $4  }
0xe6: {  	p1 =	seq.s32 @!p0 s0, s6  }
0xe7: {  	s6 =	simm.s32 $0x0;
	p1 =	por !p1, p0  }
0xe8: {  	s8 =	simm.s32 $0xFFFFFFFF;
	s6 =	simm.s32 @p1 $0xFFFFFFFF  }
0xe9: {  	s7 =	simm.s32 $0x1;
	s6 =	smov.u32 @p0 s8  }
.LBB2_18:
0xea: {  	s8 =	smov.u32 s6;
	p0 =	sne.s32 s6, $0xFFFFFFFF  }
0xeb: {  	s5 =	sadd.s32 $0x1, s5;
	s6 =	smov.u32 s7;
	s7 =	sadd.s32 $0x1, s7  }
0xec: {  	p1 =	sne.s32 s2, s7;
	v1 =	vld.msk @!p0 [tilespmem:s5+$0x0], $0x1;
	_ =	sdelay $0x4  }
0xed: {  	(v2sf) =	vpush @!p0 v1, $0x0;
	_ =	sdelay $0xe  }
.Ltmp14:
0xee: {  	s9 =	spop @!p0 (v2sf);
	(pc) =	sbr.rel @p1 .LBB2_18-.Ltmp14, $4  }
0xef: {  	p2 =	seq.s32 @!p0 s0, s9  }
0xf0: {  	p2 =	por !p2, p0  }
0xf1: {  	s6 =	simm.s32 @p2 $0xFFFFFFFF  }
0xf2: {  	s6 =	smov.u32 @p0 s8  }
.LBB2_19:
0xf3: {  	p0 =	sne.s32 s6, $0xFFFFFFFF  }
.Ltmp15:
0xf4: {  	_ = 	snop;
	(pc) =	sbr.rel @!p0 .LBB2_20-.Ltmp15, $1  }
0xf5: {  	_ =	sdelay $0x3  }
0xf6: {  	v0 =	vld.msk [tilespmem:s4+$0xE0], $0x1;
	v1 =	vmov s6  }
.Ltmp16:
0xf7: {  	_ = 	snop;
	(pc) =	sbr.rel .LBB2_22-.Ltmp16, $2  }
0xf8: {  	_ =	sdelay $0x2  }
0xf9: {  	[tilespmem:v1+s3+$0x0], v0 =	vst.idx.ret.add.f32.msk $0x1, v0  }
.LBB2_23:
0xfa: {  	p0 =	slt.s32 s2, $0x1  }
.Ltmp17:
0xfb: {  	_ = 	snop;
	(pc) =	sbr.rel @p0 .LBB2_27-.Ltmp17, $3  }
0xfc: {  	_ =	sdelay $0x1  }
0xfd: {  	s0 =	simm.s32 $0x6  }
0xfe: {  	[sflag:s0] =	ssyncpa.u1 $0x1;
	s0 =	simm.s32 $0x0  }
0xff: {  	s3 =	simm.s32 $0xC0  }
0x100: {  	v0 =	vld.msk [tilespmem:s3+$0x0], $0x1;
	_ =	sdelay $0x4  }
0x101: {  	(v2sf) =	vpush v0, $0x0;
	_ =	sdelay $0xe  }
0x102: {  	s2 =	sadd.s32 $0xFFFFFFFF, s2;
	s4 =	spop (v2sf)  }
0x103: {  	p1 =	sne.s32 s2, $0x0;
	p0 =	sgt.u32 s4, $0x7FFF  }
.Ltmp18:
0x104: {  	s5 =	sshrl.u32 @!p0 s4, $0x3;
	(pc) =	sbr.rel @!p1 .LBB2_26-.Ltmp18, $4  }
0x105: {  	s3 =	simm.s32 $0xE0;
	s4 =	sand.u32 @!p0 $0x7, s4;
	s5 =	sadd.s32 @!p0 s1, s5  }
0x106: {  	[hbm4b:s5+s4] =	stream.linear.scatter @!p0 [tilespmem:s3], [sflag:$0x5], $0x1, $0x38;
	[tilespmem:$0x4920] =	vst v63  }
0x107: {  	s5 =	simm.s32 $0x0  }
0x108: {  	s4 =	simm.s32 $0xC1;
	s5 =	simm.s32 @!p0 $0x4  }
.LBB2_25:
0x109: {  	v0 =	vld.msk [tilespmem:s4+$0x0], $0x1;
	s2 =	sadd.s32 $0xFFFFFFFF, s2;
	s0 =	sadd.s32 s0, s5  }
0x10a: {  	p0 =	sne.s32 s2, $0x0;
	_ =	sdelay $0x3  }
0x10b: {  	(v2sf) =	vpush v0, $0x0;
	_ =	sdelay $0xe  }
.Ltmp19:
0x10c: {  	s6 =	spop (v2sf);
	(pc) =	sbr.rel @p0 .LBB2_25-.Ltmp19, $4  }
0x10d: {  	s5 =	simm.s32 $0x0;
	p1 =	sgt.u32 s6, $0x7FFF  }
0x10e: {  	s3 =	sadd.s32 $0x1, s3;
	s5 =	simm.s32 @!p1 $0x4;
	s7 =	sshrl.u32 @!p1 s6, $0x3  }
0x10f: {  	s4 =	sadd.s32 $0x1, s4;
	s6 =	sand.u32 @!p1 $0x7, s6;
	s7 =	sadd.s32 @!p1 s1, s7  }
0x110: {  	[hbm4b:s7+s6] =	stream.linear.scatter @!p1 [tilespmem:s3], [sflag:$0x5], $0x1, $0x38;
	[tilespmem:$0x4920] =	vst v63  }
.LBB2_26:
0x111: {  	s0 =	sadd.s32 s0, s5  }
0x112: {  	s0 =	sshrl.u32 s0, $0x2  }
.LBB2_27:
0x113: {  	s1 =	simm.s32 $0x5  }
0x114: {  	_ =	swait.ge [sflag:s1], s0  }
0x115: {  	s28 =	ssub.s32 $0x0, s0;
	[sflag:s1] =	ssyncset.done $0x0  }
0x116: {  	[sflag:s1] =	ssyncadd.s32 s28  }
0x117: {  	[sflag:s1] =	ssyncpa.u1 $0x1  }
0x118: {  	s29 =	simm.s32 $0x1;
	_ =	sfence  }
0x119: {  	s30 =	simm.s32 $0x2;
	[sflag:s29] =	ssyncpa.u1 $0x1  }
0x11a: {  	[sflag:s30] =	ssyncpa.u1 $0x1  }
0x11b: {  	_ =	strace $0x90000047  }
0x11c: {  	[bflag:$0x2] =	sbarrier.arrive $0xFFFF  }
0x11d: {  	s31 =	rddreg [dreg:$0x2]  }
0x11e: {  	s0 =	sadd.s32 $0x100000, s31  }
0x11f: {  	[sflag:s0] =	ssyncadd.tile.s32 $0x1;
	_ =	shalt  }
.Lfunc_end2:
_tile_overlayer_lowered:
.L_overlay_start_2:
0x120: {  	(tag) =	ssettag $0x2  }
0x121: {  	s0 =	rddreg [dreg:$0x0];
	s2 =	stileid.u32  }
0x122: {  	s1 =	rddreg [dreg:$0x1];
	p0 =	sne.s32 s2, $0x0  }
0x123: {  	s3 =	rddreg [dreg:$0x2];
	[bflag:$0x3] =	sbarrier.arrive $0xFFFF;
	s2 =	simm.s32 @!p0 $0x1C01  }
0x124: {  	[timem:s3], [sflag:s2] =	dma.local @!p0 [hbm:s0], s1  }
0x125: {  	s0 =	simm.s32 @!p0 $0x1  }
0x126: {  	_ =	swait.ge @!p0 [sflag:s0], s1  }
0x127: {  	s1 =	ssub.s32 @!p0 $0x0, s1;
	[sflag:s0] =	ssyncset.done @!p0 $0x0  }
0x128: {  	[sflag:s0] =	ssyncadd.s32 @!p0 s1  }
0x129: {  	[bflag:$0x3] =	sbarrier.arrive $0xFFFF  }
0x12a: {  	_ =	shalt  }

// kernel: sparse-core-data-format-call.cloned.1.call-start
scs
called_computation.1_lowered:
.L_overlay_start_0:
0x0: {  	s2 =	sld [smem:$0x3FD9]  }
0x1: {  	s3 =	sld [smem:$0x3FFE];
	_ =	sdelay $0x1  }
0x2: {  	s1 =	srdreg.scid  }
0x3: {  	s0 =	sand.u32 $0x1, s1  }
0x4: {  	s15 =	sshll.u32 s0, $0xA;
	s2 =	sadd.s32 s3, s2  }
0x5: {  	s2 =	sadd.s32 s2, s15  }
0x6: {  	[smem:$0x3FC4] =	sst s2  }
0x7: {  	_ = 	snop  }
0x8: {  	s2 =	sld [smem:$0x3FD0];
	_ =	sdelay $0x2  }
0x9: {  	s16 =	simm.s32 $0xA;
	s4 =	simm.s32 $0x10  }
0xa: {  	[smem:s4], [sflag:s16] =	dma.local [hbm:s2], $0x1  }
0xb: {  	_ =	swait.eq [sflag:s16], $0x1  }
0xc: {  	[sflag:s16] =	ssyncset.done $0x0  }
0xd: {  	[sflag:s16] =	ssyncadd.s32 $0xFFFFFFFF  }
0xe: {  	s17 =	sld [smem:$0x10];
	(tm) =	ssettm $0x1  }
0xf: {  	s18 =	sld [smem:$0x3FFB];
	_ =	sdelay $0x3  }
0x10: {  	_ =	strace s18  }
0x11: {  	s3 =	sld [smem:$0x3FFC];
	_ =	sdelay $0x3  }
0x12: {  	_ =	strace s3  }
0x13: {  	s3 =	sld [smem:$0x3FFD];
	_ =	sdelay $0x3  }
0x14: {  	_ =	strace s3  }
0x15: {  	_ =	strace $0x8FFFFFFF  }
0x16: {  	s19 =	sld [smem:$0x3FDB];
	_ =	sdelay $0x1  }
0x17: {  	s20 =	simm.s32 $_scs_section_size  }
0x18: {  	s5 =	simm.s32 $_size__tile_overlayer_lowered;
	s6 =	simm.s32 $_tile_overlayer_lowered  }
0x19: {  	s23 =	simm.s32 $0x1BFF;
	s22 =	sshll.u32 s6, $0x1;
	s3 =	sadd.s32 s20, s19  }
0x1a: {  	s7 =	simm.s32 $0x0;
	s21 =	sshll.u32 s5, $0x1;
	s5 =	sadd.s32 s22, s3  }
0x1b: {  	[timem:s7], [sflag:s23] =	dma.local [hbm:s5], s21  }
0x1c: {  	_ =	swait.ge [sflag:s23], s21  }
0x1d: {  	s4 =	ssub.s32 $0x0, s21;
	[sflag:s23] =	ssyncset.done $0x0  }
0x1e: {  	[sflag:s23] =	ssyncadd.s32 s4;
	_ =	sdelay $0x1  }
0x1f: {  	s24 =	simm.s32 $0x1B8B  }
0x20: {  	_ =	swait.ge [sflag:s24], $0x1  }
0x21: {  	[sflag:s24] =	ssyncset.done $0x0  }
0x22: {  	s26 =	simm.s32 $0x1B8E;
	s25 =	sld [smem:$0x3FFE];
	[sflag:s24] =	ssyncadd.s32 $0xFFFFFFFF  }
0x23: {  	s27 =	simm.s32 $execute0_lowered;
	[smem:$0x3FD2] =	sst s26  }
0x24: {  	s5 =	sshll.u32 s27, $0x1;
	_ =	strace $0x80000049;
	[dreg:$0x1] =	wrdreg $0xFFFFFFFF  }
0x25: {  	s28 =	simm.s32 $_size_execute0_lowered;
	s3 =	sadd.s32 s3, s5;
	[dreg:$0x0] =	wrdreg $0x0  }
0x26: {  	s5 =	sshll.u32 s28, $0x1;
	[dreg:$0x2] =	wrdreg s3  }
0x27: {  	[dreg:$0x3] =	wrdreg s5  }
0x28: {  	[dreg:$0x4] =	wrdreg $0xC0  }
0x29: {  	_ =	task [dreg:s7], $0x5FFFF  }
0x2a: {  	[dreg:$0x1] =	wrdreg $0xFFFFFFFF  }
0x2b: {  	[dreg:$0x0] =	wrdreg $0x60  }
0x2c: {  	[dreg:$0x2] =	wrdreg s25  }
0x2d: {  	[dreg:$0x3] =	wrdreg s17  }
0x2e: {  	[dreg:$0x4] =	wrdreg $0x9  }
0x2f: {  	_ =	task.clear_ibuf [dreg:s7], $0x5FFFF;
	_ =	strace $0x90000049  }
0x30: {  	s29 =	simm.s32 $0x9;
	_ =	strace $0x8000004B  }
0x31: {  	_ =	swait.ge [sflag:s29], $0x1  }
0x32: {  	[sflag:s29] =	ssyncadd.s32 $0xFFFFFFFF  }
0x33: {  	_ =	strace $0x9000004B  }
0x34: {  	_ =	sfence  }
0x35: {  	s30 =	sld [smem:$0x0];
	_ =	sdelay $0x2  }
0x36: {  	s31 =	sshll.u32 s1, $0xD;
	s1 =	sshrl.u32 s1, $0x2  }
0x37: {  	s3 =	sand.u32 $0x4000, s31;
	s1 =	sadd.s32 s1, s30  }
0x38: {  	s0 =	sor.u32 s3, s0;
	s1 =	sshll.u32 s1, $0x11  }
0x39: {  	s0 =	sor.u32 s1, s0  }
0x3a: {  	s0 =	sadd.s32 $0x8F2B, s0  }
0x3b: {  	[sflag:s0] =	ssyncadd.remote.s32 $0x1  }
0x3c: {  	_ =	sfence.sel $0xFFFF  }
0x3d: {  	[dreg:$0x0] =	wrdreg $0xFFFFFFFF;
	(pc) =	sbr.abs _section_cstart, $3  }
0x3e: {  	[dreg:$0x1] =	wrdreg $0xFFFFFFFF  }
0x3f: {  	_ =	task.clear_ibuf [dreg:s7], $0x2FFFF;
	_ =	strace $0x9FFFFFFF  }
0x40: {  	(tm) =	ssettm $0x7FFFFFFF  }
0x41: {  	_ =	shalt  }
tec
execute0_lowered:
.L_overlay_start_1:
0x0: {  	(tag) =	ssettag $0x1  }
0x1: {  	s0 =	stileid.u32;
	s1 =	srdreg.scid  }
0x2: {  	s2 =	sshll.u32 s0, $0x6;
	s1 =	sshll.u32 s1, $0xA  }
0x3: {  	s1 =	sor.u32 s2, s1  }
0x4: {  	s7 =	rddreg [dreg:$0x0];
	s1 =	sand.u32 $0x780, s1  }
0x5: {  	s8 =	simm.s32 $0x2;
	s2 =	sand.u32 $0x1, s0;
	s3 =	ssub.s32 $0x8000, s1  }
0x6: {  	s16 =	simm.s32 $0x0;
	s4 =	ssub.s32 $0x2, s2;
	s5 =	sand.u32 $0x780, s3  }
0x7: {  	s6 =	sshrl.u32 s4, $0x1;
	p0 =	sne.s32 s5, $0x0;
	s5 =	simm.s32 $0x1  }
0x8: {  	s4 =	sand.u32 $0x1, s4;
	s3 =	sshrl.u32 s3, $0xB;
	s5 =	simm.s32 @!p0 $0x0  }
0x9: {  	s9 =	simm.s32 $0x300;
	s6 =	sadd.s32 s4, s6;
	s3 =	sadd.s32 s5, s3  }
0xa: {  	s10 =	simm.s32 $0x0;
	s15 =	simm.s32 $0x0;
	s6 =	smul.u32 s3, s6  }
.Ltmp0:
0xb: {  	s17 =	simm.s32 $0x0;
	s11 =	simm.s32 $0x0;
	(pc) =	sbr.rel .LBB1_1-.Ltmp0, $4  }
0xc: {  	s14 =	simm.s32 $0x0;
	s4 =	rddreg [dreg:$0x1];
	s5 =	simm.s32 $0x1  }
0xd: {  	s3 =	rddreg [dreg:$0x2];
	_ =	strace $0x8000004A;
	s6 =	smul.u32 $0x3, s6  }
0xe: {  	s7 =	sadd.s32 $0x400000, s7;
	s13 =	smov.u32 s2;
	[sflag:s5] =	ssyncpa.u1 $0x0  }
0xf: {  	s12 =	smov.u32 s1;
	[sflag:s8] =	ssyncpa.u1 $0x0;
	s8 =	sadd.s32 $0x1, s6  }
.LBB1_4:
0x10: {  	_ =	sdelay $0x2  }
0x11: {  	s21 =	sshrl.u32 s17, $0x1  }
0x12: {  	[tilespmem:v0+s20+$0xFFFFFFA0 ss:$0x1] =	vst.idx.msk $0xffff, v7;
	s22 =	sshll.u32 s16, $0x1;
	s21 =	smul.u32 $0x300, s21  }
0x13: {  	v56 =	vld.idx.msk [tilespmem:v1+s19+$0x30 ss:$0x1], $0xffff;
	[tilespmem:v0+s20+$0xFFFFFFB0 ss:$0x1] =	vst.idx.msk $0xffff, v5;
	s27 =	sshll.u32 s17, $0x7;
	s22 =	sand.u32 $0xFFFFFF00, s22  }
0x14: {  	v57 =	vld.idx.msk [tilespmem:v1+s19+$0xFFFFFFC0 ss:$0x1], $0xffff;
	[tilespmem:v0+s20+$0xFFFFFFC0 ss:$0x1] =	vst.idx.msk $0xffff, v4;
	s17 =	sand.u32 $0x80, s27;
	s21 =	sadd.s32 s21, s22  }
0x15: {  	v58 =	vld.idx.msk [tilespmem:v1+s19+$0xFFFFFFD0 ss:$0x1], $0xffff;
	[tilespmem:v0+s20+$0xFFFFFFD0 ss:$0x1] =	vst.idx.msk $0xffff, v2;
	s28 =	sand.u32 $0x7F, s16;
	s17 =	sor.u32 s17, s21  }
0x16: {  	v59 =	vld.idx.msk [tilespmem:v1+s19+$0xFFFFFFE0 ss:$0x1], $0xffff;
	[tilespmem:v0+s20+$0xFFFFFFE0 ss:$0x1] =	vst.idx.msk $0xffff, v3;
	s16 =	sor.u32 s28, s17  }
0x17: {  	v60 =	vld.idx.msk [tilespmem:v1+s19+$0xFFFFFFF0 ss:$0x1], $0xffff;
	[tilespmem:v0+s20+$0xFFFFFFF0 ss:$0x1] =	vst.idx.msk $0xffff, v6;
	s29 =	smulhi.u32 $0xAAAAAAAB, s16  }
0x18: {  	v61 =	vld.idx.msk [tilespmem:v1+s19+$0x0 ss:$0x1], $0xffff;
	[tilespmem:v0+s19+$0x0 ss:$0x1] =	vst.idx.msk $0xffff, v56;
	s17 =	smulhi.u32 $0xAAAAAAAB, s17  }
0x19: {  	v62 =	vld.idx.msk [tilespmem:v1+s19+$0x10 ss:$0x1], $0xffff;
	[tilespmem:v0+s19+$0xFFFFFF90 ss:$0x1] =	vst.idx.msk $0xffff, v57;
	s20 =	sshrl.u32 s29, $0x8  }
0x1a: {  	v63 =	vld.idx.msk [tilespmem:v1+s19+$0x20 ss:$0x1], $0xffff;
	[tilespmem:v0+s19+$0xFFFFFFA0 ss:$0x1] =	vst.idx.msk $0xffff, v58;
	s17 =	sshrl.u32 s17, $0x8;
	s20 =	smul.u32 $0x180, s20  }
0x1b: {  	s15 =	smul.u32 $0x60, s15;
	[tilespmem:v0+s19+$0xFFFFFFB0 ss:$0x1] =	vst.idx.msk $0xffff, v59;
	s17 =	sand.u32 $0x1, s17  }
0x1c: {  	[tilespmem:v0+s19+$0xFFFFFFC0 ss:$0x1] =	vst.idx.msk $0xffff, v60;
	p0 =	seq.s32 s17, $0x1;
	s17 =	simm.s32 $0x30;
	s16 =	ssub.s32 s16, s20  }
0x1d: {  	s15 =	sadd.s32 s4, s15;
	[tilespmem:v0+s19+$0xFFFFFFD0 ss:$0x1] =	vst.idx.msk $0xffff, v61;
	s17 =	simm.s32 @!p0 $0x0;
	s20 =	sand.u32 $0x7, s16  }
0x1e: {  	[tilespmem:v0+s19+$0xFFFFFFE0 ss:$0x1] =	vst.idx.msk $0xffff, v62;
	s15 =	sadd.s32 s17, s15;
	s16 =	sshrl.u32 s16, $0x3;
	s30 =	sshll.u32 s20, $0x12  }
0x1f: {  	[tilespmem:v0+s19+$0xFFFFFFF0 ss:$0x1] =	vst.idx.msk $0xffff, v63;
	s15 =	sadd.s32 s16, s15;
	s31 =	sor.u32 $0x80, s30  }
0x20: {  	[hbm4b:s15+s31] =	stream.strided.scatter [tilespmem:s18], [sflag:$0x2], $0x4000, s9, s31, $0x38;
	[tilespmem:$0x10000] =	vst v63  }
.LBB1_5:
0x21: {  	s18 =	sadd.s32 $0x80, s11  }
0x22: {  	s15 =	sadd.s32 $0x800, s12;
	s19 =	smov.u32 s12;
	p1 =	sgt.s32 s18, $0x17F  }
0x23: {  	s19 =	smov.u32 @p1 s15  }
0x24: {  	s21 =	smov.u32 s13;
	s15 =	sadd.s32 $0x2, s13;
	p2 =	sgt.s32 s19, $0x7FFF  }
0x25: {  	s21 =	smov.u32 @p2 s15  }
0x26: {  	s18 =	simm.s32 @p1 $0x0;
	p1 =	sgt.s32 s21, $0x1  }
0x27: {  	p0 =	slt.u32 s14, $0x2;
	s21 =	smov.u32 @p1 s2;
	p1 =	sne.s32 s14, s8  }
.Ltmp1:
0x28: {  	s20 =	simm.s32 @!p0 $0x2;
	(pc) =	sbr.rel @!p1 .LBB1_6-.Ltmp1, $4  }
0x29: {  	s16 =	smov.u32 s11;
	s17 =	smov.u32 s13;
	_ =	swait.ge @!p0 [sflag:s20], $0x4000  }
0x2a: {  	s10 =	sadd.s32 $0x4000, s10;
	[sflag:s20] =	ssyncset.done @!p0 $0x0;
	s11 =	smov.u32 s18  }
0x2b: {  	s19 =	smov.u32 @p2 s1;
	s15 =	smov.u32 s12;
	[sflag:s20] =	ssyncadd.s32 @!p0 $0xFFFFC000  }
0x2c: {  	s12 =	smov.u32 s19;
	s14 =	sadd.s32 $0x1, s14;
	s13 =	smov.u32 s21  }
.LBB1_1:
0x2d: {  	p0 =	sge.u32 s14, s6  }
0x2e: {  	s18 =	sshrl.u32 @!p0 s12, $0x3  }
0x2f: {  	s19 =	sshll.u32 @!p0 s11, $0x3;
	s18 =	smul.u32 @!p0 $0xC00, s18  }
0x30: {  	s20 =	sshll.u32 @!p0 s12, $0x7;
	s19 =	sand.u32 @!p0 $0xFFFFFC00, s19  }
0x31: {  	s18 =	sadd.s32 @!p0 s18, s19;
	s19 =	sand.u32 @!p0 $0x380, s20  }
0x32: {  	s20 =	sand.u32 @!p0 $0x7F, s11;
	s18 =	sor.u32 @!p0 s19, s18  }
0x33: {  	s19 =	sor.u32 @!p0 s20, s18  }
0x34: {  	s20 =	smulhi.u32 @!p0 $0xAAAAAAAB, s19  }
0x35: {  	s18 =	smulhi.u32 @!p0 $0xAAAAAAAB, s18  }
0x36: {  	s20 =	sshrl.u32 @!p0 s20, $0x8  }
0x37: {  	s31 =	sadd.s32 $0xFFFFFFFF, s14;
	s18 =	sshrl.u32 @!p0 s18, $0x8;
	s20 =	smul.u32 @!p0 $0x180, s20  }
0x38: {  	s21 =	sxor.u32 @!p0 $0xFFFFFFFF, s14;
	s22 =	smul.u32 @!p0 $0x180000, s13;
	s18 =	sand.u32 @!p0 $0x7FFF, s18  }
0x39: {  	s21 =	sshll.u32 @!p0 s21, $0xE;
	s18 =	smul.u32 @!p0 $0x30, s18;
	s19 =	ssub.s32 @!p0 s19, s20  }
0x3a: {  	s20 =	sand.u32 @!p0 $0x4000, s21;
	s21 =	sadd.s32 @!p0 s7, s22;
	s22 =	sand.u32 @!p0 $0x7, s19  }
0x3b: {  	s19 =	sshrl.u32 @!p0 s19, $0x3;
	s18 =	sadd.s32 @!p0 s18, s21;
	s21 =	sshll.u32 @!p0 s22, $0x12  }
0x3c: {  	s18 =	sadd.s32 @!p0 s19, s18;
	s19 =	sor.u32 @!p0 $0x400, s21;
	s21 =	simm.s32 @!p0 $0xC00  }
0x3d: {  	[tilespmem:s20], [sflag:$0x1] =	stream.strided.gather @!p0 [hbm4b:s18+s19], $0x4000, s21, s19, $0x38;
	[tilespmem:$0x10000] =	vst v63  }
0x3e: {  	p0 =	sge.u32 s31, s6  }
.Ltmp2:
0x3f: {  	_ = 	snop;
	(pc) =	sbr.rel @p0 .LBB1_5-.Ltmp2, $1  }
0x40: {  	_ =	sdelay $0x3  }
0x41: {  	s18 =	sand.u32 $0x4000, s10  }
0x42: {  	s19 =	sor.u32 $0x40, s18  }
0x43: {  	v1 =	vmov s19;
	_ =	sdelay $0x1  }
0x44: {  	_ =	swait.ge [sflag:s5], $0x4000  }
0x45: {  	[sflag:s5] =	ssyncset.done $0x0  }
0x46: {  	s20 =	simm.s32 $0x0;
	[sflag:s5] =	ssyncadd.s32 $0xFFFFC000  }
0x47: {  	s18 =	sor.u32 $0x8070, s18;
	v6 =	vld.idx.msk [tilespmem:v1+s20+$0x30 ss:$0x1], $0xffff  }
0x48: {  	v0 =	vmov s18;
	v8 =	vld.idx.msk [tilespmem:v1+s20+$0xFFFFFFC0 ss:$0x1], $0xffff  }
0x49: {  	v7 =	vld.idx.msk [tilespmem:v1+s20+$0xFFFFFFD0 ss:$0x1], $0xffff  }
0x4a: {  	v5 =	vld.idx.msk [tilespmem:v1+s20+$0xFFFFFFE0 ss:$0x1], $0xffff  }
0x4b: {  	v4 =	vld.idx.msk [tilespmem:v1+s20+$0xFFFFFFF0 ss:$0x1], $0xffff  }
0x4c: {  	s31 =	sshll.u32 s14, $0xE;
	v2 =	vld.idx.msk [tilespmem:v1+s20+$0x0 ss:$0x1], $0xffff  }
0x4d: {  	s18 =	sand.u32 $0x4000, s31;
	v3 =	vld.idx.msk [tilespmem:v1+s20+$0x10 ss:$0x1], $0xffff;
	[tilespmem:v0+s20+$0x0 ss:$0x1] =	vst.idx.msk $0xffff, v6  }
0x4e: {  	s21 =	simm.s32 $0x400;
	s19 =	simm.s32 $0x80;
	s18 =	sor.u32 $0x8000, s18;
	[tilespmem:v0+s20+$0xFFFFFF90 ss:$0x1] =	vst.idx.msk $0xffff, v8;
	v6 =	vld.idx.msk [tilespmem:v1+s20+$0x20 ss:$0x1], $0xffff  }
.LBB1_3:
0x4f: {  	p0 =	sne.s32 s21, $0xFE00;
	v8 =	vld.idx.msk [tilespmem:v1+s19+$0x30 ss:$0x1], $0xffff;
	[tilespmem:v0+s20+$0xFFFFFFA0 ss:$0x1] =	vst.idx.msk $0xffff, v7  }
0x50: {  	v9 =	vld.idx.msk [tilespmem:v1+s19+$0xFFFFFFC0 ss:$0x1], $0xffff;
	[tilespmem:v0+s20+$0xFFFFFFB0 ss:$0x1] =	vst.idx.msk $0xffff, v5  }
0x51: {  	v7 =	vld.idx.msk [tilespmem:v1+s19+$0xFFFFFFD0 ss:$0x1], $0xffff;
	[tilespmem:v0+s20+$0xFFFFFFC0 ss:$0x1] =	vst.idx.msk $0xffff, v4  }
.Ltmp3:
0x52: {  	v5 =	vld.idx.msk [tilespmem:v1+s19+$0xFFFFFFE0 ss:$0x1], $0xffff;
	[tilespmem:v0+s20+$0xFFFFFFD0 ss:$0x1] =	vst.idx.msk $0xffff, v2;
	(pc) =	sbr.rel @p0 .LBB1_3-.Ltmp3, $4  }
0x53: {  	v4 =	vld.idx.msk [tilespmem:v1+s19+$0xFFFFFFF0 ss:$0x1], $0xffff;
	[tilespmem:v0+s20+$0xFFFFFFE0 ss:$0x1] =	vst.idx.msk $0xffff, v3  }
0x54: {  	v2 =	vld.idx.msk [tilespmem:v1+s19+$0x0 ss:$0x1], $0xffff;
	[tilespmem:v0+s20+$0xFFFFFFF0 ss:$0x1] =	vst.idx.msk $0xffff, v6;
	s20 =	smov.u32 s19  }
0x55: {  	v3 =	vld.idx.msk [tilespmem:v1+s20+$0x10 ss:$0x1], $0xffff;
	[tilespmem:v0+s20+$0x0 ss:$0x1] =	vst.idx.msk $0xffff, v8  }
0x56: {  	s19 =	sshra.s32 s21, $0x2;
	s21 =	sadd.s32 $0x200, s21;
	[tilespmem:v0+s20+$0xFFFFFF90 ss:$0x1] =	vst.idx.msk $0xffff, v9;
	v6 =	vld.idx.msk [tilespmem:v1+s20+$0x20 ss:$0x1], $0xffff  }
.Ltmp4:
0x57: {  	_ = 	snop;
	(pc) =	sbr.rel .LBB1_4-.Ltmp4, $1  }
0x58: {  	_ =	sdelay $0x3  }
.LBB1_6:
0x59: {  	_ =	sfence.sel $0x180000  }
0x5a: {  	s1 =	simm.s32 $0x1;
	[bflag:$0x0] =	sbarrier.arrive $0xFFFF  }
0x5b: {  	s31 =	simm.s32 $0x2;
	[sflag:s1] =	ssyncpa.u1 $0x1  }
0x5c: {  	[sflag:s31] =	ssyncpa.u1 $0x1  }
0x5d: {  	p0 =	sne.s32 s0, $0x0;
	_ =	strace $0x9000004A  }
0x5e: {  	s0 =	sadd.s32 @!p0 $0x100000, s3;
	[bflag:$0x2] =	sbarrier.arrive $0xFFFF  }
0x5f: {  	[sflag:s0] =	ssyncadd.tile.s32 @!p0 $0x1;
	_ =	shalt  }
.Lfunc_end1:
_tile_overlayer_lowered:
.L_overlay_start_2:
0x60: {  	(tag) =	ssettag $0x2  }
0x61: {  	s0 =	rddreg [dreg:$0x0];
	s2 =	stileid.u32  }
0x62: {  	s1 =	rddreg [dreg:$0x1];
	p0 =	sne.s32 s2, $0x0  }
0x63: {  	s3 =	rddreg [dreg:$0x2];
	[bflag:$0x3] =	sbarrier.arrive $0xFFFF;
	s2 =	simm.s32 @!p0 $0x1C01  }
0x64: {  	[timem:s3], [sflag:s2] =	dma.local @!p0 [hbm:s0], s1  }
0x65: {  	s0 =	simm.s32 @!p0 $0x1  }
0x66: {  	_ =	swait.ge @!p0 [sflag:s0], s1  }
0x67: {  	s1 =	ssub.s32 @!p0 $0x0, s1;
	[sflag:s0] =	ssyncset.done @!p0 $0x0  }
0x68: {  	[sflag:s0] =	ssyncadd.s32 @!p0 s1  }
0x69: {  	[bflag:$0x3] =	sbarrier.arrive $0xFFFF  }
0x6a: {  	_ =	shalt  }

</sc_bundles>
